<compile_context>
chip_gen: v7x
topology: tpu7x:2x2x1
jax: 0.10.2.dev20260603
libtpu: 0.0.44.dev20260713+nightly
codegen_flags: <defaults>
</compile_context>

<pallas_src>
import dataclasses
import functools

import jax
import jax.numpy as jnp
from jax import lax
from jax.experimental import pallas as pl
from jax.experimental.pallas import tpu as pltpu
from jax.experimental.pallas import tpu_sc as plsc

_N_BINS = 65536
_LANES = 16
_BLOCK = 8192


def kernel(x, values):
    n_elems = x.shape[0]
    n_bins = values.shape[0]
    mesh = plsc.VectorSubcoreMesh(core_axis_name="c", subcore_axis_name="s")

    cp = pltpu.CompilerParams()
    if "needs_layout_passes" in pltpu.CompilerParams.__dataclass_fields__:
        cp = dataclasses.replace(cp, needs_layout_passes=False)

    @functools.partial(
        pl.kernel,
        out_type=jax.ShapeDtypeStruct(x.shape, x.dtype),
        mesh=mesh,
        scratch_types=[
            pltpu.VMEM((n_bins,), jnp.float32),
            pltpu.SMEM((1,), jnp.int32),
            pltpu.SemaphoreType.DMA,
        ],
        compiler_params=cp,
    )
    def _hfun(x_hbm, values_hbm, out_hbm, table_v, got_table, sem_t):
        pltpu.async_copy(values_hbm, table_v, sem_t)
        got_table[0] = 0

        def body(x_vmem, o_vmem):
            @pl.when(got_table[0] == 0)
            def _():
                pltpu.make_async_copy(values_hbm, table_v, sem_t).wait()
                got_table[0] = 1

            @plsc.parallel_loop(0, _BLOCK, step=_LANES, unroll=16)
            def _(c):
                xv = x_vmem[pl.ds(c, _LANES)]
                idx = (xv * float(n_bins)).astype(jnp.int32)
                idx = jnp.minimum(jnp.maximum(idx, 0), n_bins - 1)
                o_vmem[pl.ds(c, _LANES)] = plsc.load_gather(table_v, [idx])

        pltpu.emit_pipeline(
            body,
            grid=(n_elems // _BLOCK,),
            in_specs=[pl.BlockSpec((_BLOCK,), lambda i: (i,))],
            out_specs=[pl.BlockSpec((_BLOCK,), lambda i: (i,))],
            core_axis_name=("c", "s"),
            dimension_semantics=(pltpu.PARALLEL,),
        )(x_hbm, out_hbm)

    return _hfun(x, values)

# --- scband reference (transcript-rebuilt; emitter-appended) ---
"""Pipeline reference for scband-hfunction-15522011807896 (READ-ONLY COPY).

The authoritative reference and input builder live on the scoring server;
editing this copy changes nothing except your own understanding.
"""

import jax, jax.numpy as jnp
import numpy as np

N_BINS = 65536
N_ELEMS = 16777216

def setup_inputs(seed: int = 0) -> dict:
    key = jax.random.key(seed)
    kx, kv = jax.random.split(key)
    x = jax.random.uniform(kx, (N_ELEMS,), dtype=jnp.float32)
    values = jax.random.normal(kv, (N_BINS,), dtype=jnp.float32)
    return {"x": x, "values": values}

def reference(x, values):
    n = values.shape[0]
    # x = x * n; x = x.long(); x.clamp_(0, n-1); return values[x]
    idx = (x * n).astype(jnp.int32)
    idx = jnp.clip(idx, 0, n - 1)
    return jnp.take(values, idx, axis=0)

if __name__ == "__main__":
    import jax
    _d = setup_inputs()
    print(jax.jit(kernel)(*tuple(_d.values())))

</pallas_src>

<mosaic_0001>
#map = affine_map<(d0, d1) -> (0)>
module attributes {stable_mosaic.version = 14 : i64} {
  func.func @_hfun(%arg0: i32, %arg1: i32, %arg2: memref<16777216xf32, #tpu.memory_space<hbm>>, %arg3: memref<65536xf32, #tpu.memory_space<hbm>>, %arg4: memref<16777216xf32, #tpu.memory_space<hbm>>, %arg5: memref<65536xf32, #tpu.memory_space<vmem>>, %arg6: memref<1xi32, #tpu.memory_space<smem>>, %arg7: memref<!tpu.dma_semaphore, #tpu.memory_space<semaphore_mem>>) attributes {dimension_semantics = [#tpu.dimension_semantics<core_parallel>, #tpu.dimension_semantics<subcore_parallel>], iteration_bounds = array<i64: 2, 16>, scalar_prefetch = 0 : i64, scratch_operands = 3 : i64, tpu.core_type = #tpu.core_type<sc_vector_subcore>, window_params = [{transform_indices = #map}, {transform_indices = #map}, {transform_indices = #map}]} {
    tpu.enqueue_dma source(%arg3 : memref<65536xf32, #tpu.memory_space<hbm>>) target(%arg5 : memref<65536xf32, #tpu.memory_space<vmem>>) target_semaphore(%arg7 : memref<!tpu.dma_semaphore, #tpu.memory_space<semaphore_mem>>)
    %swap3A = arith.constant 0 : i32
    %swap3A_0 = arith.constant 0 : i32
    %swap3A_1 = arith.index_cast %swap3A_0 : i32 to index
    %swap3A_2 = memref.load %arg6[%swap3A_1] : memref<1xi32, #tpu.memory_space<smem>>
    memref.store %swap3A, %arg6[%swap3A_1] : memref<1xi32, #tpu.memory_space<smem>>
    %mul3A = arith.constant 1 : i32
    %mul3A_3 = arith.muli %arg1, %mul3A : i32
    %add3A = arith.constant 0 : i32
    %add3A_4 = arith.addi %add3A, %mul3A_3 : i32
    %mul3A_5 = arith.constant 16 : i32
    %mul3A_6 = arith.muli %arg0, %mul3A_5 : i32
    %add3A_7 = arith.addi %add3A_4, %mul3A_6 : i32
    %mul3A_8 = arith.constant 64 : i32
    %mul3A_9 = arith.muli %add3A_7, %mul3A_8 : i32
    "tpu.region"() ({
      %run_scoped3A = memref.alloca() : memref<16384xf32, #tpu.memory_space<vmem>>
      %run_scoped3A_10 = tpu.sem_alloc : memref<2x!tpu.dma_semaphore, #tpu.memory_space<semaphore_mem>>
      %run_scoped3A_11 = memref.alloca() : memref<16384xf32, #tpu.memory_space<vmem>>
      %run_scoped3A_12 = tpu.sem_alloc : memref<2x!tpu.dma_semaphore, #tpu.memory_space<semaphore_mem>>
      %add3A_13 = arith.constant 0 : i32
      %add3A_14 = arith.addi %add3A_13, %mul3A_9 : i32
      %select_n3A = arith.constant true
      %select_n3A_15 = arith.constant 0 : i32
      %select_n3A_16 = arith.constant -1 : i32
      %select_n3A_17 = arith.select %select_n3A, %select_n3A_16, %select_n3A_15 : i32
      %eq3A = arith.constant -1 : i32
      %eq3A_18 = arith.cmpi eq, %select_n3A_17, %eq3A : i32
      %select_n3A_19 = arith.constant 63 : i32
      %select_n3A_20 = arith.select %eq3A_18, %select_n3A_19, %select_n3A_17 : i32
      %add3A_21 = arith.addi %select_n3A_20, %mul3A_9 : i32
      %select_n3A_22 = arith.constant true
      %select_n3A_23 = arith.constant 0 : i32
      %select_n3A_24 = arith.constant 1 : i32
      %select_n3A_25 = arith.select %select_n3A_22, %select_n3A_24, %select_n3A_23 : i32
      %eq3A_26 = arith.constant 64 : i32
      %eq3A_27 = arith.cmpi eq, %select_n3A_25, %eq3A_26 : i32
      %select_n3A_28 = arith.constant 0 : i32
      %select_n3A_29 = arith.select %eq3A_27, %select_n3A_28, %select_n3A_25 : i32
      %add3A_30 = arith.addi %select_n3A_29, %mul3A_9 : i32
      %add3A_31 = arith.constant 1 : i32
      %add3A_32 = arith.addi %select_n3A_29, %add3A_31 : i32
      %select_n3A_33 = arith.constant true
      %select_n3A_34 = arith.select %select_n3A_33, %add3A_32, %select_n3A_29 : i32
      %eq3A_35 = arith.constant 64 : i32
      %eq3A_36 = arith.cmpi eq, %select_n3A_34, %eq3A_35 : i32
      %select_n3A_37 = arith.constant 0 : i32
      %select_n3A_38 = arith.select %eq3A_36, %select_n3A_37, %select_n3A_34 : i32
      %add3A_39 = arith.addi %select_n3A_38, %mul3A_9 : i32
      "tpu.trace_start"() <{level = 10 : i32, message = "ep_initialize_0"}> : () -> ()
      %rem3A = arith.constant 0 : i32
      %rem3A_40 = arith.constant 2 : i32
      %rem3A_41 = arith.remui %rem3A, %rem3A_40 : i32
      %mul3A_42 = arith.constant 8192 : i32
      %mul3A_43 = arith.muli %mul3A_42, %add3A_14 : i32
      %mul3A_44 = arith.constant 8192 : i32
      %mul3A_45 = arith.muli %rem3A_41, %mul3A_44 : i32
      %add3A_46 = arith.constant 0 : i32
      %add3A_47 = arith.addi %mul3A_45, %add3A_46 : i32
      %dma_start3A = tpu.memref_slice %run_scoped3A[%add3A_47] : memref<16384xf32, #tpu.memory_space<vmem>> -> memref<8192xf32, #tpu.memory_space<vmem>>
      %dma_start3A_48 = tpu.memref_slice %arg2[%mul3A_43] : memref<16777216xf32, #tpu.memory_space<hbm>> -> memref<8192xf32, #tpu.memory_space<hbm>>
      %dma_start3A_49 = tpu.memref_slice %run_scoped3A_10[%rem3A_41] : memref<2x!tpu.dma_semaphore, #tpu.memory_space<semaphore_mem>> -> memref<1x!tpu.dma_semaphore, #tpu.memory_space<semaphore_mem>>
      %dma_start3A_50 = tpu.memref_squeeze %dma_start3A_49 : memref<1x!tpu.dma_semaphore, #tpu.memory_space<semaphore_mem>> -> memref<!tpu.dma_semaphore, #tpu.memory_space<semaphore_mem>>
      %dma_start3A_51 = tpu.memref_slice %run_scoped3A[%add3A_47] : memref<16384xf32, #tpu.memory_space<vmem>> -> memref<8192xf32, #tpu.memory_space<vmem>>
      %dma_start3A_52 = tpu.memref_slice %arg2[%mul3A_43] : memref<16777216xf32, #tpu.memory_space<hbm>> -> memref<8192xf32, #tpu.memory_space<hbm>>
      tpu.enqueue_dma source(%dma_start3A_52 : memref<8192xf32, #tpu.memory_space<hbm>>) target(%dma_start3A_51 : memref<8192xf32, #tpu.memory_space<vmem>>) target_semaphore(%dma_start3A_50 : memref<!tpu.dma_semaphore, #tpu.memory_space<semaphore_mem>>)
      %add3A_53 = arith.constant 0 : i32
      %add3A_54 = arith.constant 1 : i32
      %add3A_55 = arith.addi %add3A_53, %add3A_54 : i32
      %select_n3A_56 = arith.constant true
      %select_n3A_57 = arith.constant 0 : i32
      %select_n3A_58 = arith.select %select_n3A_56, %add3A_55, %select_n3A_57 : i32
      "tpu.trace_stop"() : () -> ()
      %scan3A = arith.constant 0 : i32
      %scan3A_59 = arith.constant 0 : i32
      %scan3A_60 = arith.constant 0 : i32
      %scan3A_61 = arith.constant 0 : i32
      %scan3A_62 = arith.constant 0 : i32
      %scan3A_63 = arith.constant 64 : i32
      %scan3A_64 = arith.addi %scan3A_62, %scan3A_63 : i32
      %scan3A_65 = arith.constant 1 : i32
      %scan3A_66:5 = scf.for %scan3A_116 = %scan3A_62 to %scan3A_64 step %scan3A_65 iter_args(%scan3A_117 = %select_n3A_58, %scan3A_118 = %scan3A, %scan3A_119 = %scan3A_59, %scan3A_120 = %scan3A_60, %scan3A_121 = %scan3A_61) -> (i32, i32, i32, i32, i32)  : i32 {
        %eq3A_122 = arith.constant 0 : i32
        %eq3A_123 = arith.cmpi eq, %scan3A_116, %eq3A_122 : i32
        %eq3A_124 = arith.constant 63 : i32
        %eq3A_125 = arith.cmpi eq, %scan3A_116, %eq3A_124 : i32
        %add3A_126 = arith.addi %scan3A_121, %mul3A_9 : i32
        %sub3A_127 = arith.constant 1 : i32
        %sub3A_128 = arith.subi %scan3A_121, %sub3A_127 : i32
        %select_n3A_129 = arith.constant true
        %select_n3A_130 = arith.select %select_n3A_129, %sub3A_128, %scan3A_121 : i32
        %eq3A_131 = arith.constant -1 : i32
        %eq3A_132 = arith.cmpi eq, %select_n3A_130, %eq3A_131 : i32
        %select_n3A_133 = arith.constant 63 : i32
        %select_n3A_134 = arith.select %eq3A_132, %select_n3A_133, %select_n3A_130 : i32
        %add3A_135 = arith.addi %select_n3A_134, %mul3A_9 : i32
        %add3A_136 = arith.constant 1 : i32
        %add3A_137 = arith.addi %scan3A_121, %add3A_136 : i32
        %select_n3A_138 = arith.constant true
        %select_n3A_139 = arith.select %select_n3A_138, %add3A_137, %scan3A_121 : i32
        %eq3A_140 = arith.constant 64 : i32
        %eq3A_141 = arith.cmpi eq, %select_n3A_139, %eq3A_140 : i32
        %select_n3A_142 = arith.constant 0 : i32
        %select_n3A_143 = arith.select %eq3A_141, %select_n3A_142, %select_n3A_139 : i32
        %add3A_144 = arith.addi %select_n3A_143, %mul3A_9 : i32
        %add3A_145 = arith.constant 1 : i32
        %add3A_146 = arith.addi %select_n3A_143, %add3A_145 : i32
        %select_n3A_147 = arith.constant true
        %select_n3A_148 = arith.select %select_n3A_147, %add3A_146, %select_n3A_143 : i32
        %eq3A_149 = arith.constant 64 : i32
        %eq3A_150 = arith.cmpi eq, %select_n3A_148, %eq3A_149 : i32
        %select_n3A_151 = arith.constant 0 : i32
        %select_n3A_152 = arith.select %eq3A_150, %select_n3A_151, %select_n3A_148 : i32
        %add3A_153 = arith.addi %select_n3A_152, %mul3A_9 : i32
        %ne3A = arith.cmpi ne, %add3A_126, %add3A_144 : i32
        %or3A = arith.constant false
        %or3A_154 = arith.ori %or3A, %ne3A : i1
        %ge3A = arith.constant 63 : i32
        %ge3A_155 = arith.cmpi sge, %scan3A_116, %ge3A : i32
        %not3A = arith.constant true
        %not3A_156 = arith.xori %ge3A_155, %not3A : i1
        %and3A = arith.andi %or3A_154, %not3A_156 : i1
        %convert_element_type3A = arith.extui %and3A : i1 to i32
        %cond3A = arith.constant 0 : i32
        %cond3A_157 = arith.cmpi ne, %convert_element_type3A, %cond3A : i32
        scf.if %cond3A_157 {
          "tpu.trace_start"() <{level = 10 : i32, message = "ep_copy_in"}> : () -> ()
          %rem3A_263 = arith.constant 2 : i32
          %rem3A_264 = arith.remui %scan3A_117, %rem3A_263 : i32
          %mul3A_265 = arith.constant 8192 : i32
          %mul3A_266 = arith.muli %mul3A_265, %add3A_144 : i32
          %mul3A_267 = arith.constant 8192 : i32
          %mul3A_268 = arith.muli %rem3A_264, %mul3A_267 : i32
          %add3A_269 = arith.constant 0 : i32
          %add3A_270 = arith.addi %mul3A_268, %add3A_269 : i32
          %dma_start3A_271 = tpu.memref_slice %run_scoped3A[%add3A_270] : memref<16384xf32, #tpu.memory_space<vmem>> -> memref<8192xf32, #tpu.memory_space<vmem>>
          %dma_start3A_272 = tpu.memref_slice %arg2[%mul3A_266] : memref<16777216xf32, #tpu.memory_space<hbm>> -> memref<8192xf32, #tpu.memory_space<hbm>>
          %dma_start3A_273 = tpu.memref_slice %run_scoped3A_10[%rem3A_264] : memref<2x!tpu.dma_semaphore, #tpu.memory_space<semaphore_mem>> -> memref<1x!tpu.dma_semaphore, #tpu.memory_space<semaphore_mem>>
          %dma_start3A_274 = tpu.memref_squeeze %dma_start3A_273 : memref<1x!tpu.dma_semaphore, #tpu.memory_space<semaphore_mem>> -> memref<!tpu.dma_semaphore, #tpu.memory_space<semaphore_mem>>
          %dma_start3A_275 = tpu.memref_slice %run_scoped3A[%add3A_270] : memref<16384xf32, #tpu.memory_space<vmem>> -> memref<8192xf32, #tpu.memory_space<vmem>>
          %dma_start3A_276 = tpu.memref_slice %arg2[%mul3A_266] : memref<16777216xf32, #tpu.memory_space<hbm>> -> memref<8192xf32, #tpu.memory_space<hbm>>
          tpu.enqueue_dma source(%dma_start3A_276 : memref<8192xf32, #tpu.memory_space<hbm>>) target(%dma_start3A_275 : memref<8192xf32, #tpu.memory_space<vmem>>) target_semaphore(%dma_start3A_274 : memref<!tpu.dma_semaphore, #tpu.memory_space<semaphore_mem>>)
          "tpu.trace_stop"() : () -> ()
        } else {
        }
        %and3A_158 = arith.constant true
        %and3A_159 = arith.andi %and3A, %and3A_158 : i1
        %add3A_160 = arith.constant 1 : i32
        %add3A_161 = arith.addi %scan3A_117, %add3A_160 : i32
        %select_n3A_162 = arith.select %and3A_159, %add3A_161, %scan3A_117 : i32
        %ne3A_163 = arith.cmpi ne, %add3A_126, %add3A_144 : i32
        %or3A_164 = arith.constant false
        %or3A_165 = arith.ori %or3A_164, %ne3A_163 : i1
        %ge3A_166 = arith.constant 63 : i32
        %ge3A_167 = arith.cmpi sge, %scan3A_116, %ge3A_166 : i32
        %not3A_168 = arith.constant true
        %not3A_169 = arith.xori %ge3A_167, %not3A_168 : i1
        %and3A_170 = arith.andi %or3A_165, %not3A_169 : i1
        %ne3A_171 = arith.cmpi ne, %add3A_126, %add3A_135 : i32
        %or3A_172 = arith.constant false
        %or3A_173 = arith.ori %or3A_172, %ne3A_171 : i1
        %or3A_174 = arith.ori %or3A_173, %eq3A_123 : i1
        %convert_element_type3A_175 = arith.extui %or3A_174 : i1 to i32
        %cond3A_176 = arith.constant 0 : i32
        %cond3A_177 = arith.cmpi ne, %convert_element_type3A_175, %cond3A_176 : i32
        scf.if %cond3A_177 {
          "tpu.trace_start"() <{level = 10 : i32, message = "ep_wait_in"}> : () -> ()
          %mul3A_263 = arith.constant 8192 : i32
          %mul3A_264 = arith.muli %mul3A_263, %add3A_126 : i32
          %rem3A_265 = arith.constant 2 : i32
          %rem3A_266 = arith.remui %scan3A_118, %rem3A_265 : i32
          %mul3A_267 = arith.constant 8192 : i32
          %mul3A_268 = arith.muli %rem3A_266, %mul3A_267 : i32
          %add3A_269 = arith.constant 0 : i32
          %add3A_270 = arith.addi %mul3A_268, %add3A_269 : i32
          %dma_wait3A_271 = tpu.memref_slice %run_scoped3A[%add3A_270] : memref<16384xf32, #tpu.memory_space<vmem>> -> memref<8192xf32, #tpu.memory_space<vmem>>
          %dma_wait3A_272 = tpu.memref_slice %arg2[%mul3A_264] : memref<16777216xf32, #tpu.memory_space<hbm>> -> memref<8192xf32, #tpu.memory_space<hbm>>
          %dma_wait3A_273 = tpu.memref_slice %run_scoped3A_10[%rem3A_266] : memref<2x!tpu.dma_semaphore, #tpu.memory_space<semaphore_mem>> -> memref<1x!tpu.dma_semaphore, #tpu.memory_space<semaphore_mem>>
          %dma_wait3A_274 = tpu.memref_squeeze %dma_wait3A_273 : memref<1x!tpu.dma_semaphore, #tpu.memory_space<semaphore_mem>> -> memref<!tpu.dma_semaphore, #tpu.memory_space<semaphore_mem>>
          %dma_wait3A_275 = tpu.memref_slice %run_scoped3A[%add3A_270] : memref<16384xf32, #tpu.memory_space<vmem>> -> memref<8192xf32, #tpu.memory_space<vmem>>
          %dma_wait3A_276 = tpu.memref_slice %arg2[%mul3A_264] : memref<16777216xf32, #tpu.memory_space<hbm>> -> memref<8192xf32, #tpu.memory_space<hbm>>
          tpu.wait_dma2 semaphore(%dma_wait3A_274 : memref<!tpu.dma_semaphore, #tpu.memory_space<semaphore_mem>>) src(%dma_wait3A_276 : memref<8192xf32, #tpu.memory_space<hbm>>) dst(%dma_wait3A_275 : memref<8192xf32, #tpu.memory_space<vmem>>)
          "tpu.trace_stop"() : () -> ()
        } else {
        }
        %ne3A_178 = arith.cmpi ne, %add3A_126, %add3A_135 : i32
        %or3A_179 = arith.constant false
        %or3A_180 = arith.ori %or3A_179, %ne3A_178 : i1
        %or3A_181 = arith.ori %or3A_180, %eq3A_123 : i1
        %convert_element_type3A_182 = arith.extui %or3A_181 : i1 to i32
        %cond3A_183 = arith.constant 0 : i32
        %cond3A_184 = arith.cmpi ne, %convert_element_type3A_182, %cond3A_183 : i32
        scf.if %cond3A_184 {
        } else {
        }
        %rem3A_185 = arith.constant 2 : i32
        %rem3A_186 = arith.remui %scan3A_118, %rem3A_185 : i32
        %mul3A_187 = arith.constant 8192 : i32
        %mul3A_188 = arith.muli %rem3A_186, %mul3A_187 : i32
        %rem3A_189 = arith.constant 2 : i32
        %rem3A_190 = arith.remui %scan3A_119, %rem3A_189 : i32
        %mul3A_191 = arith.constant 8192 : i32
        %mul3A_192 = arith.muli %rem3A_190, %mul3A_191 : i32
        %get3A = arith.constant 0 : i32
        "tpu.trace_start"() <{level = 10 : i32, message = "ep_run_kernel"}> : () -> ()
        %get3A_193 = arith.index_cast %get3A : i32 to index
        %get3A_194 = memref.load %arg6[%get3A_193] : memref<1xi32, #tpu.memory_space<smem>>
        %eq3A_195 = arith.constant 0 : i32
        %eq3A_196 = arith.cmpi eq, %get3A_194, %eq3A_195 : i32
        %convert_element_type3A_197 = arith.extui %eq3A_196 : i1 to i32
        %cond3A_198 = arith.constant 0 : i32
        %cond3A_199 = arith.cmpi ne, %convert_element_type3A_197, %cond3A_198 : i32
        scf.if %cond3A_199 {
          tpu.wait_dma2 semaphore(%arg7 : memref<!tpu.dma_semaphore, #tpu.memory_space<semaphore_mem>>) src(%arg3 : memref<65536xf32, #tpu.memory_space<hbm>>) dst(%arg5 : memref<65536xf32, #tpu.memory_space<vmem>>)
          %swap3A_263 = arith.constant 1 : i32
          %swap3A_264 = arith.constant 0 : i32
          %swap3A_265 = arith.index_cast %swap3A_264 : i32 to index
          %swap3A_266 = memref.load %arg6[%swap3A_265] : memref<1xi32, #tpu.memory_space<smem>>
          memref.store %swap3A_263, %arg6[%swap3A_265] : memref<1xi32, #tpu.memory_space<smem>>
        } else {
        }
        %parallel_loop3A = arith.constant 0 : i32
        %parallel_loop3A_200 = arith.constant 8192 : i32
        %parallel_loop3A_201 = arith.constant 16 : i32
        scf.for %parallel_loop3A_263 = %parallel_loop3A to %parallel_loop3A_200 step %parallel_loop3A_201  : i32 {
          %parallel_loop3A_264 = tpu.memref_slice %run_scoped3A[%mul3A_188] : memref<16384xf32, #tpu.memory_space<vmem>> -> memref<8192xf32, #tpu.memory_space<vmem>>
          %parallel_loop3A_265 = arith.index_cast %parallel_loop3A_263 : i32 to index
          %parallel_loop3A_266 = tpu.vector_load %parallel_loop3A_264[%parallel_loop3A_265] {strides = array<i32>} : memref<8192xf32, #tpu.memory_space<vmem>>, vector<16xf32>,
          %parallel_loop3A_267 = arith.constant 6.553600e+04 : f32
          %parallel_loop3A_268 = vector.broadcast %parallel_loop3A_267 : f32 to vector<16xf32>
          %parallel_loop3A_269 = arith.mulf %parallel_loop3A_266, %parallel_loop3A_268 : vector<16xf32>
          %parallel_loop3A_270 = arith.fptosi %parallel_loop3A_269 : vector<16xf32> to vector<16xi32>
          %parallel_loop3A_271 = arith.constant 0 : i32
          %parallel_loop3A_272 = vector.broadcast %parallel_loop3A_271 : i32 to vector<16xi32>
          %parallel_loop3A_273 = arith.maxsi %parallel_loop3A_270, %parallel_loop3A_272 : vector<16xi32>
          %parallel_loop3A_274 = arith.constant 65535 : i32
          %parallel_loop3A_275 = vector.broadcast %parallel_loop3A_274 : i32 to vector<16xi32>
          %parallel_loop3A_276 = arith.minsi %parallel_loop3A_273, %parallel_loop3A_275 : vector<16xi32>
          %parallel_loop3A_277 = tpu.vector_load_idx %arg5[%parallel_loop3A_276] : memref<65536xf32, #tpu.memory_space<vmem>>[vector<16xi32>], vector<16xf32>,
          %parallel_loop3A_278 = tpu.memref_slice %run_scoped3A_11[%mul3A_192] : memref<16384xf32, #tpu.memory_space<vmem>> -> memref<8192xf32, #tpu.memory_space<vmem>>
          %parallel_loop3A_279 = arith.index_cast %parallel_loop3A_263 : i32 to index
          %parallel_loop3A_280 = tpu.vector_load %parallel_loop3A_278[%parallel_loop3A_279] {strides = array<i32>} : memref<8192xf32, #tpu.memory_space<vmem>>, vector<16xf32>,
          tpu.vector_store %parallel_loop3A_278[%parallel_loop3A_279], %parallel_loop3A_277 {strides = array<i32>} : memref<8192xf32, #tpu.memory_space<vmem>>, vector<16xf32>,
        } {sc.loop_unroll_factor = 16 : i64, sc.parallel_access}
        "tpu.trace_stop"() : () -> ()
        %ne3A_202 = arith.cmpi ne, %add3A_126, %add3A_144 : i32
        %or3A_203 = arith.constant false
        %or3A_204 = arith.ori %or3A_203, %ne3A_202 : i1
        %or3A_205 = arith.ori %or3A_204, %eq3A_125 : i1
        %convert_element_type3A_206 = arith.extui %or3A_205 : i1 to i32
        %cond3A_207 = arith.constant 0 : i32
        %cond3A_208 = arith.cmpi ne, %convert_element_type3A_206, %cond3A_207 : i32
        scf.if %cond3A_208 {
        } else {
        }
        %and3A_209 = arith.constant false
        %and3A_210 = arith.andi %or3A_205, %and3A_209 : i1
        %ne3A_211 = arith.cmpi ne, %add3A_126, %add3A_144 : i32
        %or3A_212 = arith.constant false
        %or3A_213 = arith.ori %or3A_212, %ne3A_211 : i1
        %or3A_214 = arith.ori %or3A_213, %eq3A_125 : i1
        %convert_element_type3A_215 = arith.extui %or3A_214 : i1 to i32
        %cond3A_216 = arith.constant 0 : i32
        %cond3A_217 = arith.cmpi ne, %convert_element_type3A_215, %cond3A_216 : i32
        scf.if %cond3A_217 {
          "tpu.trace_start"() <{level = 10 : i32, message = "ep_copy_out"}> : () -> ()
          %rem3A_263 = arith.constant 2 : i32
          %rem3A_264 = arith.remui %scan3A_119, %rem3A_263 : i32
          %mul3A_265 = arith.constant 8192 : i32
          %mul3A_266 = arith.muli %mul3A_265, %add3A_126 : i32
          %mul3A_267 = arith.constant 8192 : i32
          %mul3A_268 = arith.muli %rem3A_264, %mul3A_267 : i32
          %add3A_269 = arith.constant 0 : i32
          %add3A_270 = arith.addi %mul3A_268, %add3A_269 : i32
          %dma_start3A_271 = tpu.memref_slice %run_scoped3A_11[%add3A_270] : memref<16384xf32, #tpu.memory_space<vmem>> -> memref<8192xf32, #tpu.memory_space<vmem>>
          %dma_start3A_272 = tpu.memref_slice %arg4[%mul3A_266] : memref<16777216xf32, #tpu.memory_space<hbm>> -> memref<8192xf32, #tpu.memory_space<hbm>>
          %dma_start3A_273 = tpu.memref_slice %run_scoped3A_12[%rem3A_264] : memref<2x!tpu.dma_semaphore, #tpu.memory_space<semaphore_mem>> -> memref<1x!tpu.dma_semaphore, #tpu.memory_space<semaphore_mem>>
          %dma_start3A_274 = tpu.memref_squeeze %dma_start3A_273 : memref<1x!tpu.dma_semaphore, #tpu.memory_space<semaphore_mem>> -> memref<!tpu.dma_semaphore, #tpu.memory_space<semaphore_mem>>
          %dma_start3A_275 = tpu.memref_slice %arg4[%mul3A_266] : memref<16777216xf32, #tpu.memory_space<hbm>> -> memref<8192xf32, #tpu.memory_space<hbm>>
          %dma_start3A_276 = tpu.memref_slice %run_scoped3A_11[%add3A_270] : memref<16384xf32, #tpu.memory_space<vmem>> -> memref<8192xf32, #tpu.memory_space<vmem>>
          tpu.enqueue_dma source(%dma_start3A_276 : memref<8192xf32, #tpu.memory_space<vmem>>) target(%dma_start3A_275 : memref<8192xf32, #tpu.memory_space<hbm>>) target_semaphore(%dma_start3A_274 : memref<!tpu.dma_semaphore, #tpu.memory_space<semaphore_mem>>)
          "tpu.trace_stop"() : () -> ()
        } else {
        }
        %and3A_218 = arith.constant true
        %and3A_219 = arith.andi %or3A_214, %and3A_218 : i1
        %add3A_220 = arith.constant 1 : i32
        %add3A_221 = arith.addi %scan3A_119, %add3A_220 : i32
        %select_n3A_222 = arith.select %and3A_219, %add3A_221, %scan3A_119 : i32
        %ne3A_223 = arith.cmpi ne, %add3A_126, %add3A_135 : i32
        %or3A_224 = arith.constant false
        %or3A_225 = arith.ori %or3A_224, %ne3A_223 : i1
        %not3A_226 = arith.constant true
        %not3A_227 = arith.xori %eq3A_123, %not3A_226 : i1
        %and3A_228 = arith.andi %or3A_225, %not3A_227 : i1
        %convert_element_type3A_229 = arith.extui %and3A_228 : i1 to i32
        %cond3A_230 = arith.constant 0 : i32
        %cond3A_231 = arith.cmpi ne, %convert_element_type3A_229, %cond3A_230 : i32
        scf.if %cond3A_231 {
        } else {
        }
        %and3A_232 = arith.constant false
        %and3A_233 = arith.andi %and3A_228, %and3A_232 : i1
        %ne3A_234 = arith.cmpi ne, %add3A_126, %add3A_135 : i32
        %or3A_235 = arith.constant false
        %or3A_236 = arith.ori %or3A_235, %ne3A_234 : i1
        %not3A_237 = arith.constant true
        %not3A_238 = arith.xori %eq3A_123, %not3A_237 : i1
        %and3A_239 = arith.andi %or3A_236, %not3A_238 : i1
        %convert_element_type3A_240 = arith.extui %and3A_239 : i1 to i32
        %cond3A_241 = arith.constant 0 : i32
        %cond3A_242 = arith.cmpi ne, %convert_element_type3A_240, %cond3A_241 : i32
        scf.if %cond3A_242 {
          "tpu.trace_start"() <{level = 10 : i32, message = "ep_wait_out"}> : () -> ()
          %rem3A_263 = arith.constant 2 : i32
          %rem3A_264 = arith.remui %scan3A_120, %rem3A_263 : i32
          %mul3A_265 = arith.constant 8192 : i32
          %mul3A_266 = arith.muli %mul3A_265, %add3A_135 : i32
          %mul3A_267 = arith.constant 8192 : i32
          %mul3A_268 = arith.muli %rem3A_264, %mul3A_267 : i32
          %add3A_269 = arith.constant 0 : i32
          %add3A_270 = arith.addi %mul3A_268, %add3A_269 : i32
          %dma_wait3A_271 = tpu.memref_slice %run_scoped3A_11[%add3A_270] : memref<16384xf32, #tpu.memory_space<vmem>> -> memref<8192xf32, #tpu.memory_space<vmem>>
          %dma_wait3A_272 = tpu.memref_slice %arg4[%mul3A_266] : memref<16777216xf32, #tpu.memory_space<hbm>> -> memref<8192xf32, #tpu.memory_space<hbm>>
          %dma_wait3A_273 = tpu.memref_slice %run_scoped3A_12[%rem3A_264] : memref<2x!tpu.dma_semaphore, #tpu.memory_space<semaphore_mem>> -> memref<1x!tpu.dma_semaphore, #tpu.memory_space<semaphore_mem>>
          %dma_wait3A_274 = tpu.memref_squeeze %dma_wait3A_273 : memref<1x!tpu.dma_semaphore, #tpu.memory_space<semaphore_mem>> -> memref<!tpu.dma_semaphore, #tpu.memory_space<semaphore_mem>>
          %dma_wait3A_275 = tpu.memref_slice %arg4[%mul3A_266] : memref<16777216xf32, #tpu.memory_space<hbm>> -> memref<8192xf32, #tpu.memory_space<hbm>>
          %dma_wait3A_276 = tpu.memref_slice %run_scoped3A_11[%add3A_270] : memref<16384xf32, #tpu.memory_space<vmem>> -> memref<8192xf32, #tpu.memory_space<vmem>>
          tpu.wait_dma2 semaphore(%dma_wait3A_274 : memref<!tpu.dma_semaphore, #tpu.memory_space<semaphore_mem>>) src(%dma_wait3A_276 : memref<8192xf32, #tpu.memory_space<vmem>>) dst(%dma_wait3A_275 : memref<8192xf32, #tpu.memory_space<hbm>>)
          "tpu.trace_stop"() : () -> ()
        } else {
        }
        %and3A_243 = arith.constant true
        %and3A_244 = arith.andi %and3A_239, %and3A_243 : i1
        %add3A_245 = arith.constant 1 : i32
        %add3A_246 = arith.addi %scan3A_120, %add3A_245 : i32
        %select_n3A_247 = arith.select %and3A_244, %add3A_246, %scan3A_120 : i32
        %ne3A_248 = arith.cmpi ne, %add3A_126, %add3A_144 : i32
        %or3A_249 = arith.constant false
        %or3A_250 = arith.ori %or3A_249, %ne3A_248 : i1
        %or3A_251 = arith.ori %or3A_250, %eq3A_125 : i1
        %add3A_252 = arith.constant 1 : i32
        %add3A_253 = arith.addi %scan3A_118, %add3A_252 : i32
        %select_n3A_254 = arith.select %or3A_251, %add3A_253, %scan3A_118 : i32
        %add3A_255 = arith.constant 1 : i32
        %add3A_256 = arith.addi %scan3A_121, %add3A_255 : i32
        %select_n3A_257 = arith.constant true
        %select_n3A_258 = arith.select %select_n3A_257, %add3A_256, %scan3A_121 : i32
        %eq3A_259 = arith.constant 64 : i32
        %eq3A_260 = arith.cmpi eq, %select_n3A_258, %eq3A_259 : i32
        %select_n3A_261 = arith.constant 0 : i32
        %select_n3A_262 = arith.select %eq3A_260, %select_n3A_261, %select_n3A_258 : i32
        scf.yield %select_n3A_162, %select_n3A_254, %select_n3A_222, %select_n3A_247, %select_n3A_262 : i32, i32, i32, i32, i32
      }
      %scan3A_67 = arith.constant 64 : i32
      %sub3A = arith.constant 1 : i32
      %sub3A_68 = arith.subi %scan3A_66#4, %sub3A : i32
      %select_n3A_69 = arith.constant true
      %select_n3A_70 = arith.select %select_n3A_69, %sub3A_68, %scan3A_66#4 : i32
      %eq3A_71 = arith.constant -1 : i32
      %eq3A_72 = arith.cmpi eq, %select_n3A_70, %eq3A_71 : i32
      %select_n3A_73 = arith.constant 63 : i32
      %select_n3A_74 = arith.select %eq3A_72, %select_n3A_73, %select_n3A_70 : i32
      %add3A_75 = arith.addi %select_n3A_74, %mul3A_9 : i32
      %sub3A_76 = arith.constant 1 : i32
      %sub3A_77 = arith.subi %select_n3A_74, %sub3A_76 : i32
      %select_n3A_78 = arith.constant true
      %select_n3A_79 = arith.select %select_n3A_78, %sub3A_77, %select_n3A_74 : i32
      %eq3A_80 = arith.constant -1 : i32
      %eq3A_81 = arith.cmpi eq, %select_n3A_79, %eq3A_80 : i32
      %select_n3A_82 = arith.constant 63 : i32
      %select_n3A_83 = arith.select %eq3A_81, %select_n3A_82, %select_n3A_79 : i32
      %add3A_84 = arith.addi %select_n3A_83, %mul3A_9 : i32
      %add3A_85 = arith.constant 1 : i32
      %add3A_86 = arith.addi %select_n3A_74, %add3A_85 : i32
      %select_n3A_87 = arith.constant true
      %select_n3A_88 = arith.select %select_n3A_87, %add3A_86, %select_n3A_74 : i32
      %eq3A_89 = arith.constant 64 : i32
      %eq3A_90 = arith.cmpi eq, %select_n3A_88, %eq3A_89 : i32
      %select_n3A_91 = arith.constant 0 : i32
      %select_n3A_92 = arith.select %eq3A_90, %select_n3A_91, %select_n3A_88 : i32
      %add3A_93 = arith.addi %select_n3A_92, %mul3A_9 : i32
      %add3A_94 = arith.constant 1 : i32
      %add3A_95 = arith.addi %select_n3A_92, %add3A_94 : i32
      %select_n3A_96 = arith.constant true
      %select_n3A_97 = arith.select %select_n3A_96, %add3A_95, %select_n3A_92 : i32
      %eq3A_98 = arith.constant 64 : i32
      %eq3A_99 = arith.cmpi eq, %select_n3A_97, %eq3A_98 : i32
      %select_n3A_100 = arith.constant 0 : i32
      %select_n3A_101 = arith.select %eq3A_99, %select_n3A_100, %select_n3A_97 : i32
      %add3A_102 = arith.addi %select_n3A_101, %mul3A_9 : i32
      "tpu.trace_start"() <{level = 10 : i32, message = "ep_finalize"}> : () -> ()
      %rem3A_103 = arith.constant 2 : i32
      %rem3A_104 = arith.remui %scan3A_66#3, %rem3A_103 : i32
      %mul3A_105 = arith.constant 8192 : i32
      %mul3A_106 = arith.muli %mul3A_105, %add3A_75 : i32
      %mul3A_107 = arith.constant 8192 : i32
      %mul3A_108 = arith.muli %rem3A_104, %mul3A_107 : i32
      %add3A_109 = arith.constant 0 : i32
      %add3A_110 = arith.addi %mul3A_108, %add3A_109 : i32
      %dma_wait3A = tpu.memref_slice %run_scoped3A_11[%add3A_110] : memref<16384xf32, #tpu.memory_space<vmem>> -> memref<8192xf32, #tpu.memory_space<vmem>>
      %dma_wait3A_111 = tpu.memref_slice %arg4[%mul3A_106] : memref<16777216xf32, #tpu.memory_space<hbm>> -> memref<8192xf32, #tpu.memory_space<hbm>>
      %dma_wait3A_112 = tpu.memref_slice %run_scoped3A_12[%rem3A_104] : memref<2x!tpu.dma_semaphore, #tpu.memory_space<semaphore_mem>> -> memref<1x!tpu.dma_semaphore, #tpu.memory_space<semaphore_mem>>
      %dma_wait3A_113 = tpu.memref_squeeze %dma_wait3A_112 : memref<1x!tpu.dma_semaphore, #tpu.memory_space<semaphore_mem>> -> memref<!tpu.dma_semaphore, #tpu.memory_space<semaphore_mem>>
      %dma_wait3A_114 = tpu.memref_slice %arg4[%mul3A_106] : memref<16777216xf32, #tpu.memory_space<hbm>> -> memref<8192xf32, #tpu.memory_space<hbm>>
      %dma_wait3A_115 = tpu.memref_slice %run_scoped3A_11[%add3A_110] : memref<16384xf32, #tpu.memory_space<vmem>> -> memref<8192xf32, #tpu.memory_space<vmem>>
      tpu.wait_dma2 semaphore(%dma_wait3A_113 : memref<!tpu.dma_semaphore, #tpu.memory_space<semaphore_mem>>) src(%dma_wait3A_115 : memref<8192xf32, #tpu.memory_space<vmem>>) dst(%dma_wait3A_114 : memref<8192xf32, #tpu.memory_space<hbm>>)
      "tpu.trace_stop"() : () -> ()
      tpu.yield
    }) : () -> ()
    return
  }
}

</mosaic_0001>

<sc_bundles>
// kernel: kernel.3.cloned.1.call-start
scs
__scs_entry_jumppad:
0x0: {  	(pc) =	sbr.rel $0x88, $3  }
0x1: {  	(tag) =	ssettag $0x0;
	lr =	simm.s32 $0x1  }
0x2: {  	[smem:$0x3F9F] =	sst lr;
	_ =	strace $0xD0000000  }
0x3: {  	_ = 	snop  }
0x4: {  	_ = 	snop  }
0x5: {  	_ = 	snop  }
0x6: {  	_ = 	snop  }
0x7: {  	_ = 	snop  }
__scs_overlays_trampoline_lowered:
0x8: {  	[smem:$0x3FAE] =	sst s0  }
0x9: {  	[smem:$0x3FAF] =	sst s1  }
0xa: {  	[smem:$0x3FB0] =	sst s2  }
0xb: {  	[smem:$0x3FB1] =	sst s3  }
0xc: {  	[smem:$0x3FB2] =	sst s4  }
0xd: {  	[smem:$0x3FB3] =	sst s5  }
0xe: {  	[smem:$0x3FB4] =	sst s6  }
0xf: {  	[smem:$0x3FB5] =	sst s7  }
0x10: {  	[smem:$0x3FB6] =	sst s8  }
0x11: {  	[smem:$0x3FB7] =	sst s9;
	s0 =	simm.s32 @!p0 $0x0  }
0x12: {  	s1 =	sld [smem:$0x3F9D];
	s0 =	simm.s32 @p0 $0x1  }
0x13: {  	[smem:$0x3FB8] =	sst s0;
	s0 =	simm.s32 @!p1 $0x0  }
0x14: {  	s2 =	sld [smem:$0x3F9C];
	s0 =	simm.s32 @p1 $0x1  }
0x15: {  	[smem:$0x3FB9] =	sst s0;
	s0 =	simm.s32 @!p2 $0x0  }
0x16: {  	s3 =	sld [smem:$0x3FDB];
	s0 =	simm.s32 @p2 $0x1  }
0x17: {  	s4 =	simm.s32 $0x1BF5;
	[smem:$0x3FBB] =	sst s0  }
0x18: {  	s0 =	sld [smem:$0x3F9E];
	_ =	swait.ge [sflag:s4], $0x0  }
0x19: {  	s7 =	sld [smem:$0x3F9F]  }
0x1a: {  	s8 =	sadd.s32 $0xFFFFE003, lr  }
0x1b: {  	s9 =	sadd.s32 $0xFFFFFEF7, lr;
	s5 =	simm.s32 $0xFFFFFFFF;
	p2 =	slt.u32 s8, $0xFFFFF086  }
0x1c: {  	p1 =	slt.u32 s9, $0xF7A;
	s5 =	simm.s32 @!p2 $0x0  }
0x1d: {  	s5 =	simm.s32 @p1 $0x1;
	p0 =	seq.s32 s7, s2  }
0x1e: {  	s7 =	smul.u32 @!p0 $0xF7A, s2;
	p2 =	seq.s32 @!p0 s5, $0x0  }
0x1f: {  	s9 =	smul.u32 $0xF7A, s1;
	s8 =	simm.s32 @!p0 $0x1BF5;
	p2 =	por !p2, p0  }
0x20: {  	[sflag:s8] =	ssyncset.s32 @!p0 $0xFFFFF086;
	s6 =	sadd.s32 @!p0 s3, s7;
	s7 =	simm.s32 @!p0 $0x108  }
0x21: {  	s3 =	sadd.s32 s3, s9;
	s6 =	sadd.s32 @!p0 $0x88, s6;
	s7 =	simm.s32 @p2 $0x1082  }
0x22: {  	[simem:s7], [sflag:s8] =	dma.local @!p0 [hbm:s6], $0xF7A  }
0x23: {  	s9 =	sor.u32 $0xD0000000, s2;
	s6 =	simm.s32 $0x108;
	_ =	swait.ge @!p0 [sflag:s8], $0x0  }
0x24: {  	s3 =	sadd.s32 $0x88, s3;
	s6 =	simm.s32 @!p1 $0x1082;
	[sflag:s4] =	ssyncset.s32 $0xFFFFF086  }
0x25: {  	[simem:s6], [sflag:s4] =	dma.local [hbm:s3], $0xF7A  }
0x26: {  	[smem:$0x3F9F] =	sst s1;
	(tag) =	ssettag s2;
	_ =	strace s9  }
0x27: {  	s1 =	sld [smem:$0x3FAF]  }
0x28: {  	s2 =	sld [smem:$0x3FB0]  }
0x29: {  	s4 =	sld [smem:$0x3FB2]  }
0x2a: {  	p0 =	seq.s32 s5, $0x0;
	s5 =	sld [smem:$0x3FB3]  }
0x2b: {  	s6 =	sld [smem:$0x3FB4]  }
0x2c: {  	s7 =	sld [smem:$0x3FB5]  }
0x2d: {  	s3 =	simm.s32 $0x108;
	s8 =	sld [smem:$0x3FB6]  }
0x2e: {  	s3 =	simm.s32 @!p0 $0x1082;
	s9 =	sld [smem:$0x3FB7]  }
0x2f: {  	lr =	sadd.s32 s0, s3;
	s0 =	sld [smem:$0x3FAE]  }
0x30: {  	s3 =	sld [smem:$0x3FB1]  }
0x31: {  	[smem:$0x3FBA] =	sst s10  }
0x32: {  	s10 =	sld [smem:$0x3FB8];
	_ =	sdelay $0x3  }
0x33: {  	p0 =	seq.s32 s10, $0x1;
	s10 =	sld [smem:$0x3FBA];
	_ =	sdelay $0x3  }
0x34: {  	[smem:$0x3FBA] =	sst s10  }
0x35: {  	s10 =	sld [smem:$0x3FB9];
	_ =	sdelay $0x3  }
0x36: {  	p1 =	seq.s32 s10, $0x1;
	s10 =	sld [smem:$0x3FBA];
	_ =	sdelay $0x3  }
0x37: {  	[smem:$0x3FBA] =	sst s10  }
0x38: {  	s10 =	sld [smem:$0x3FBB]  }
0x39: {  	_ = 	snop;
	(pc) =	sbr.ind lr, $3  }
0x3a: {  	_ = 	snop  }
0x3b: {  	_ = 	snop  }
0x3c: {  	p2 =	seq.s32 s10, $0x1;
	s10 =	sld [smem:$0x3FBA]  }
0x3d: {  	_ =	shalt  }
0x3e: {  	_ =	shalt  }
0x3f: {  	_ =	shalt  }
0x40: {  	_ =	shalt  }
0x41: {  	_ =	shalt  }
0x42: {  	_ =	shalt  }
0x43: {  	_ =	shalt  }
0x44: {  	_ =	shalt  }
0x45: {  	_ =	shalt  }
0x46: {  	_ =	shalt  }
0x47: {  	_ =	shalt  }
0x48: {  	_ =	shalt  }
0x49: {  	_ =	shalt  }
0x4a: {  	_ =	shalt  }
0x4b: {  	_ =	shalt  }
0x4c: {  	_ =	shalt  }
0x4d: {  	_ =	shalt  }
0x4e: {  	_ =	shalt  }
0x4f: {  	_ =	shalt  }
0x50: {  	_ =	shalt  }
0x51: {  	_ =	shalt  }
0x52: {  	_ =	shalt  }
0x53: {  	_ =	shalt  }
0x54: {  	_ =	shalt  }
0x55: {  	_ =	shalt  }
0x56: {  	_ =	shalt  }
0x57: {  	_ =	shalt  }
0x58: {  	_ =	shalt  }
0x59: {  	_ =	shalt  }
0x5a: {  	_ =	shalt  }
0x5b: {  	_ =	shalt  }
0x5c: {  	_ =	shalt  }
0x5d: {  	_ =	shalt  }
0x5e: {  	_ =	shalt  }
0x5f: {  	_ =	shalt  }
0x60: {  	_ =	shalt  }
0x61: {  	_ =	shalt  }
0x62: {  	_ =	shalt  }
0x63: {  	_ =	shalt  }
0x64: {  	_ =	shalt  }
0x65: {  	_ =	shalt  }
0x66: {  	_ =	shalt  }
0x67: {  	_ =	shalt  }
0x68: {  	_ =	shalt  }
0x69: {  	_ =	shalt  }
0x6a: {  	_ =	shalt  }
0x6b: {  	_ =	shalt  }
0x6c: {  	_ =	shalt  }
0x6d: {  	_ =	shalt  }
0x6e: {  	_ =	shalt  }
0x6f: {  	_ =	shalt  }
0x70: {  	_ =	shalt  }
0x71: {  	_ =	shalt  }
0x72: {  	_ =	shalt  }
0x73: {  	_ =	shalt  }
0x74: {  	_ =	shalt  }
0x75: {  	_ =	shalt  }
0x76: {  	_ =	shalt  }
0x77: {  	_ =	shalt  }
0x78: {  	_ =	shalt  }
0x79: {  	_ =	shalt  }
0x7a: {  	_ =	shalt  }
0x7b: {  	_ =	shalt  }
0x7c: {  	_ =	shalt  }
0x7d: {  	_ =	shalt  }
0x7e: {  	_ =	shalt  }
0x7f: {  	_ =	shalt  }
0x80: {  	_ =	shalt  }
0x81: {  	_ =	shalt  }
0x82: {  	_ =	shalt  }
0x83: {  	_ =	shalt  }
0x84: {  	_ =	shalt  }
0x85: {  	_ =	shalt  }
0x86: {  	_ =	shalt  }
0x87: {  	_ =	shalt  }
.Lfunc_end0:
.L_simem_size_0:
called_computation_lowered:
.L_overlay_start_0:
0x88: {  	s2 =	sld [smem:$0x3FD9]  }
0x89: {  	s3 =	sld [smem:$0x3FFE];
	_ =	sdelay $0x1  }
0x8a: {  	s1 =	srdreg.scid  }
0x8b: {  	s0 =	sand.u32 $0x1, s1  }
0x8c: {  	s18 =	sshll.u32 s0, $0xA;
	s2 =	sadd.s32 s3, s2  }
0x8d: {  	s2 =	sadd.s32 s2, s18  }
0x8e: {  	[smem:$0x3FC6] =	sst s2  }
0x8f: {  	_ = 	snop  }
0x90: {  	s2 =	sld [smem:$0x3FC9]  }
0x91: {  	s19 =	sld [smem:$0x3FC8]  }
0x92: {  	s4 =	sld [smem:$0x3FD0];
	(tm) =	ssettm $0x1  }
0x93: {  	s5 =	sld [smem:$0x3FFB];
	_ =	sdelay $0x3  }
0x94: {  	_ =	strace s5  }
0x95: {  	s5 =	sld [smem:$0x3FFC];
	_ =	sdelay $0x3  }
0x96: {  	_ =	strace s5  }
0x97: {  	s5 =	sld [smem:$0x3FFD];
	_ =	sdelay $0x3  }
0x98: {  	_ =	strace s5  }
0x99: {  	_ =	strace $0x8FFFFFFF  }
0x9a: {  	s20 =	sld [smem:$0x3FDB];
	_ =	sdelay $0x1  }
0x9b: {  	s6 =	simm.s32 $_scs_section_size  }
0x9c: {  	s7 =	simm.s32 $_size__tile_overlayer_lowered;
	s8 =	simm.s32 $_tile_overlayer_lowered  }
0x9d: {  	s23 =	simm.s32 $0x1BFF;
	s22 =	sshll.u32 s8, $0x1;
	s5 =	sadd.s32 s6, s20  }
0x9e: {  	s9 =	simm.s32 $0x0;
	s21 =	sshll.u32 s7, $0x1;
	s7 =	sadd.s32 s22, s5  }
0x9f: {  	[timem:s9], [sflag:s23] =	dma.local [hbm:s7], s21  }
0xa0: {  	_ =	swait.ge [sflag:s23], s21  }
0xa1: {  	s6 =	ssub.s32 $0x0, s21;
	[sflag:s23] =	ssyncset.done $0x0  }
0xa2: {  	[sflag:s23] =	ssyncadd.s32 s6;
	_ =	sdelay $0x1  }
0xa3: {  	s24 =	simm.s32 $0x1B8B  }
0xa4: {  	_ =	swait.ge [sflag:s24], $0x1  }
0xa5: {  	[sflag:s24] =	ssyncset.done $0x0  }
0xa6: {  	s25 =	simm.s32 $0x1B8E;
	[sflag:s24] =	ssyncadd.s32 $0xFFFFFFFF  }
0xa7: {  	s26 =	simm.s32 $execute0_lowered;
	[smem:$0x3FD2] =	sst s25  }
0xa8: {  	s6 =	sshll.u32 s26, $0x1;
	_ =	strace $0x80000046;
	[dreg:$0x1] =	wrdreg $0xFFFFFFFF  }
0xa9: {  	s28 =	simm.s32 $_size_execute0_lowered;
	s5 =	sadd.s32 s5, s6;
	[dreg:$0x0] =	wrdreg $0x0  }
0xaa: {  	s6 =	sshll.u32 s28, $0x1;
	[dreg:$0x2] =	wrdreg s5  }
0xab: {  	[dreg:$0x3] =	wrdreg s6  }
0xac: {  	[dreg:$0x4] =	wrdreg $0xC0  }
0xad: {  	_ =	task [dreg:s9], $0x5FFFF  }
0xae: {  	[dreg:$0x1] =	wrdreg $0xFFFFFFFF  }
0xaf: {  	[dreg:$0x0] =	wrdreg $0x60  }
0xb0: {  	[dreg:$0x2] =	wrdreg s2  }
0xb1: {  	[dreg:$0x3] =	wrdreg s19  }
0xb2: {  	[dreg:$0x4] =	wrdreg s4  }
0xb3: {  	[dreg:$0x5] =	wrdreg $0x9  }
0xb4: {  	_ =	task.clear_ibuf [dreg:s9], $0x6FFFF;
	_ =	strace $0x90000046  }
0xb5: {  	s29 =	simm.s32 $0x9;
	_ =	strace $0x8000004F  }
0xb6: {  	_ =	swait.ge [sflag:s29], $0x1  }
0xb7: {  	[sflag:s29] =	ssyncadd.s32 $0xFFFFFFFF  }
0xb8: {  	_ =	strace $0x9000004F  }
0xb9: {  	_ =	sfence  }
0xba: {  	s30 =	sld [smem:$0x0];
	_ =	sdelay $0x2  }
0xbb: {  	s31 =	sshll.u32 s1, $0xD;
	s1 =	sshrl.u32 s1, $0x2  }
0xbc: {  	s3 =	sand.u32 $0x4000, s31;
	s1 =	sadd.s32 s1, s30  }
0xbd: {  	s0 =	sor.u32 s3, s0;
	s1 =	sshll.u32 s1, $0x11  }
0xbe: {  	s0 =	sor.u32 s1, s0  }
0xbf: {  	s0 =	sadd.s32 $0x8F2B, s0  }
0xc0: {  	[sflag:s0] =	ssyncadd.remote.s32 $0x1  }
0xc1: {  	_ =	sfence.sel $0xFFFF  }
0xc2: {  	[dreg:$0x0] =	wrdreg $0xFFFFFFFF;
	(pc) =	sbr.abs _section_cstart, $3  }
0xc3: {  	[dreg:$0x1] =	wrdreg $0xFFFFFFFF  }
0xc4: {  	_ =	task.clear_ibuf [dreg:s9], $0x2FFFF;
	_ =	strace $0x9FFFFFFF  }
0xc5: {  	(tm) =	ssettm $0x7FFFFFFF  }
tec
execute0_lowered:
.L_overlay_start_1:
0x0: {  	(tag) =	ssettag $0x1  }
0x1: {  	s1 =	rddreg [dreg:$0x0]  }
0x2: {  	s2 =	rddreg [dreg:$0x1]  }
0x3: {  	s3 =	rddreg [dreg:$0x2];
	s4 =	srdreg.scid  }
0x4: {  	s0 =	rddreg [dreg:$0x3];
	s5 =	simm.s32 $0x0;
	s9 =	simm.s32 $0x10000  }
0x5: {  	s10 =	simm.s32 $0x5;
	s11 =	simm.s32 $0x0;
	s6 =	sand.u32 $0x1, s4  }
0x6: {  	s4 =	stileid.u32;
	s7 =	ssub.s32 $0x2, s6;
	s6 =	sshll.u32 s6, $0x4  }
0x7: {  	[smem:$0x7FF] =	sst s5;
	s8 =	sshrl.u32 s7, $0x1;
	s6 =	sor.u32 s4, s6  }
0x8: {  	_ =	strace $0x80000047;
	s8 =	ssub.s32 s7, s8;
	s31 =	sshll.u32 s6, $0x10  }
0x9: {  	s6 =	sshll.u32 s6, $0x6;
	s7 =	sadd.s32 s1, s31;
	s8 =	smax.u32 s8, $0x1  }
.LBB2_1:
0xa: {  	[tilespmem:s5], [sflag:$0x1] =	stream.linear.gather [hbm4b:s2+s5], $0x10000, $0x38;
	[tilespmem:$0x18000] =	vst v63  }
0xb: {  	[smem:$0x0] =	sst s5;
	s12 =	simm.s32 $0x0;
	s13 =	simm.s32 $0x0  }
0xc: {  	s14 =	simm.s32 $0x0;
	s15 =	simm.s32 $0x0;
	_ =	strace $0x80000048  }
0xd: {  	[tilespmem:s9], [sflag:$0x2] =	stream.linear.gather [hbm4b:s7+s5], $0x2000, $0x200038;
	[tilespmem:$0x18000] =	vst v63  }
0xe: {  	s16 =	simm.s32 $0x1;
	s17 =	simm.s32 $0x0;
	_ =	strace $0x90000048  }
.LBB2_2:
0xf: {  	s21 =	smov.u32 s12;
	s12 =	sadd.s32 $0x1, s12  }
0x10: {  	p0 =	seq.s32 s12, $0x40  }
0x11: {  	s12 =	simm.s32 @p0 $0x0  }
0x12: {  	p1 =	sne.s32 s17, $0x3F;
	p0 =	sne.s32 s21, s12  }
0x13: {  	p1 =	por !p1, !p0  }
0x14: {  	p1 =	por !p1, !p1  }
0x15: {  	s19 =	sadd.s32 @p1 s6, s12  }
0x16: {  	s18 =	sand.u32 @p1 $0x1, s16;
	_ =	strace @p1 $0x80000049;
	s19 =	sshll.u32 @p1 s19, $0xA  }
0x17: {  	s22 =	simm.s32 @p1 $0x0;
	s20 =	sshll.u32 @p1 s18, $0xD;
	s19 =	sand.u32 @p1 $0x1FFFFC00, s19  }
0x18: {  	s18 =	sor.u32 @p1 $0x2, s18;
	s20 =	sor.u32 @p1 $0x10000, s20;
	s19 =	sadd.s32 @p1 s1, s19  }
0x19: {  	[tilespmem:s20], [sflag:s18] =	stream.linear.gather @p1 [hbm4b:s19+s22], $0x2000, $0x200038;
	[tilespmem:$0x18000] =	vst v63  }
0x1a: {  	s29 =	sand.u32 $0x1, s15;
	_ =	strace @p1 $0x90000049  }
0x1b: {  	s30 =	sor.u32 $0x2, s29;
	_ =	strace $0x8000004A  }
0x1c: {  	_ =	swait.ge [sflag:s30], $0x2000  }
0x1d: {  	[sflag:s30] =	ssyncset.done $0x0  }
0x1e: {  	[sflag:s30] =	ssyncadd.s32 $0xFFFFE000  }
0x1f: {  	_ =	strace $0x9000004A  }
0x20: {  	_ =	strace $0x8000004B  }
0x21: {  	s31 =	sld [smem:$0x0];
	_ =	sdelay $0x2  }
0x22: {  	p2 =	sne.s32 s31, $0x0  }
0x23: {  	s22 =	simm.s32 @!p2 $0x1  }
0x24: {  	_ =	swait.ge @!p2 [sflag:s22], $0x10000  }
0x25: {  	s18 =	sshll.u32 s29, $0xD;
	[sflag:s22] =	ssyncset.done @!p2 $0x0  }
0x26: {  	s18 =	sor.u32 $0x10080, s18;
	[sflag:s22] =	ssyncadd.s32 @!p2 $0xFFFF0000  }
0x27: {  	v0 =	vld [tilespmem:s18+$0x70]  }
0x28: {  	v1 =	vld [tilespmem:s18+$0xFFFFFF90]  }
0x29: {  	v2 =	vld [tilespmem:s18+$0xFFFFFFA0]  }
0x2a: {  	v3 =	vld [tilespmem:s18+$0xFFFFFFB0]  }
0x2b: {  	v4 =	vld [tilespmem:s18+$0xFFFFFFC0]  }
0x2c: {  	v5 =	vld [tilespmem:s18+$0xFFFFFFD0]  }
0x2d: {  	v6 =	vld [tilespmem:s18+$0xFFFFFFE0]  }
0x2e: {  	v7 =	vld [tilespmem:s18+$0xFFFFFFF0]  }
0x2f: {  	v8 =	vld [tilespmem:s18+$0x0]  }
0x30: {  	v9 =	vld [tilespmem:s18+$0x10]  }
0x31: {  	v10 =	vld [tilespmem:s18+$0x20]  }
0x32: {  	v11 =	vld [tilespmem:s18+$0x30]  }
0x33: {  	v12 =	vld [tilespmem:s18+$0x40]  }
0x34: {  	v13 =	vld [tilespmem:s18+$0x50]  }
0x35: {  	v14 =	vld [tilespmem:s18+$0x60]  }
0x36: {  	s24 =	sadd.s32 $0x100, s18;
	v15 =	vld [tilespmem:s18+$0xFFFFFF80]  }
0x37: {  	v16 =	vld [tilespmem:s24+$0x70]  }
0x38: {  	v17 =	vld [tilespmem:s24+$0xFFFFFF90]  }
0x39: {  	v18 =	vld [tilespmem:s24+$0xFFFFFFA0]  }
0x3a: {  	v19 =	vld [tilespmem:s24+$0xFFFFFFB0];
	v0 =	vmul.f32 $6.553600000e+04, v0  }
0x3b: {  	v20 =	vld [tilespmem:s24+$0xFFFFFFC0];
	v1 =	vmul.f32 $6.553600000e+04, v1;
	v2 =	vmul.f32 $6.553600000e+04, v2  }
0x3c: {  	v21 =	vld [tilespmem:s24+$0xFFFFFFD0];
	v3 =	vmul.f32 $6.553600000e+04, v3;
	v4 =	vmul.f32 $6.553600000e+04, v4  }
0x3d: {  	v22 =	vld [tilespmem:s24+$0xFFFFFFE0];
	v5 =	vmul.f32 $6.553600000e+04, v5;
	v6 =	vmul.f32 $6.553600000e+04, v6  }
0x3e: {  	v23 =	vld [tilespmem:s24+$0xFFFFFFF0];
	v7 =	vmul.f32 $6.553600000e+04, v7;
	v8 =	vmul.f32 $6.553600000e+04, v8  }
0x3f: {  	v24 =	vld [tilespmem:s24+$0x0];
	v9 =	vmul.f32 $6.553600000e+04, v9;
	v10 =	vmul.f32 $6.553600000e+04, v10  }
0x40: {  	v25 =	vld [tilespmem:s24+$0x10];
	v11 =	vmul.f32 $6.553600000e+04, v11;
	v12 =	vmul.f32 $6.553600000e+04, v12  }
0x41: {  	v26 =	vld [tilespmem:s24+$0x20];
	v13 =	vmul.f32 $6.553600000e+04, v13;
	v14 =	vmul.f32 $6.553600000e+04, v14  }
0x42: {  	v27 =	vld [tilespmem:s24+$0x30];
	v15 =	vmul.f32 $6.553600000e+04, v15;
	v16 =	vmul.f32 $6.553600000e+04, v16  }
0x43: {  	v28 =	vld [tilespmem:s24+$0x40];
	v17 =	vmul.f32 $6.553600000e+04, v17;
	v18 =	vmul.f32 $6.553600000e+04, v18  }
0x44: {  	v29 =	vld [tilespmem:s24+$0x50];
	v19 =	vmul.f32 $6.553600000e+04, v19;
	v20 =	vmul.f32 $6.553600000e+04, v20  }
0x45: {  	v21 =	vmul.f32 $6.553600000e+04, v21;
	v22 =	vmul.f32 $6.553600000e+04, v22  }
0x46: {  	v23 =	vmul.f32 $6.553600000e+04, v23;
	v24 =	vmul.f32 $6.553600000e+04, v24  }
0x47: {  	v25 =	vmul.f32 $6.553600000e+04, v25;
	v26 =	vmul.f32 $6.553600000e+04, v26  }
0x48: {  	v27 =	vmul.f32 $6.553600000e+04, v27;
	v28 =	vmul.f32 $6.553600000e+04, v28  }
0x49: {  	v29 =	vmul.f32 $6.553600000e+04, v29;
	v0 =	vtrunc.f32 v0  }
0x4a: {  	v1 =	vtrunc.f32 v1;
	v2 =	vtrunc.f32 v2  }
0x4b: {  	v3 =	vtrunc.f32 v3;
	v4 =	vtrunc.f32 v4  }
0x4c: {  	v5 =	vtrunc.f32 v5;
	v6 =	vtrunc.f32 v6  }
0x4d: {  	v7 =	vtrunc.f32 v7;
	v8 =	vtrunc.f32 v8  }
0x4e: {  	v9 =	vtrunc.f32 v9;
	v10 =	vtrunc.f32 v10  }
0x4f: {  	v11 =	vtrunc.f32 v11;
	v12 =	vtrunc.f32 v12  }
0x50: {  	v13 =	vtrunc.f32 v13;
	v14 =	vtrunc.f32 v14  }
0x51: {  	v15 =	vtrunc.f32 v15;
	v16 =	vtrunc.f32 v16  }
0x52: {  	v17 =	vtrunc.f32 v17;
	v18 =	vtrunc.f32 v18  }
0x53: {  	v19 =	vtrunc.f32 v19;
	v20 =	vtrunc.f32 v20  }
0x54: {  	v21 =	vtrunc.f32 v21;
	v22 =	vtrunc.f32 v22  }
0x55: {  	v23 =	vtrunc.f32 v23;
	v24 =	vtrunc.f32 v24  }
0x56: {  	v25 =	vtrunc.f32 v25;
	v26 =	vtrunc.f32 v26  }
0x57: {  	v27 =	vtrunc.f32 v27;
	v28 =	vtrunc.f32 v28  }
0x58: {  	v29 =	vtrunc.f32 v29;
	v0 =	vcvt.f32.s32 v0  }
0x59: {  	v1 =	vcvt.f32.s32 v1;
	v15 =	vcvt.f32.s32 v15  }
0x5a: {  	v2 =	vcvt.f32.s32 v2;
	v3 =	vcvt.f32.s32 v3  }
0x5b: {  	v4 =	vcvt.f32.s32 v4;
	v5 =	vcvt.f32.s32 v5  }
0x5c: {  	v6 =	vcvt.f32.s32 v6;
	v7 =	vcvt.f32.s32 v7  }
0x5d: {  	v8 =	vcvt.f32.s32 v8;
	v9 =	vcvt.f32.s32 v9  }
0x5e: {  	v10 =	vcvt.f32.s32 v10;
	v11 =	vcvt.f32.s32 v11  }
0x5f: {  	v12 =	vcvt.f32.s32 v12;
	v13 =	vcvt.f32.s32 v13  }
0x60: {  	v14 =	vcvt.f32.s32 v14;
	v16 =	vcvt.f32.s32 v16;
	vm0 =	vgt.s32 v0, $0x0  }
0x61: {  	vm1 =	vgt.s32 v15, $0x0;
	vm2 =	vgt.s32 v2, $0x0;
	vm3 =	vgt.s32 v3, $0x0  }
0x62: {  	vm4 =	vgt.s32 v4, $0x0;
	vm5 =	vgt.s32 v5, $0x0;
	vm6 =	vgt.s32 v6, $0x0  }
0x63: {  	vm7 =	vgt.s32 v7, $0x0;
	vm8 =	vgt.s32 v8, $0x0;
	vm9 =	vgt.s32 v9, $0x0  }
0x64: {  	vm10 =	vgt.s32 v10, $0x0;
	vm11 =	vgt.s32 v11, $0x0;
	vm12 =	vgt.s32 v12, $0x0  }
0x65: {  	vm13 =	vgt.s32 v13, $0x0;
	vm14 =	vgt.s32 v14, $0x0;
	v0 =	vnsel vm0, $0x0, v0  }
0x66: {  	vm0 =	vgt.s32 v1, $0x0;
	v15 =	vnsel vm1, $0x0, v15;
	v0 =	vmin.u32 v0, $0xFFFF  }
0x67: {  	v2 =	vnsel vm2, $0x0, v2;
	v3 =	vnsel vm3, $0x0, v3;
	v15 =	vmin.u32 v15, $0xFFFF  }
0x68: {  	v4 =	vnsel vm4, $0x0, v4;
	v5 =	vnsel vm5, $0x0, v5;
	v2 =	vmin.u32 v2, $0xFFFF  }
0x69: {  	v30 =	vld [tilespmem:s24+$0x60];
	v6 =	vnsel vm6, $0x0, v6;
	v7 =	vnsel vm7, $0x0, v7;
	v3 =	vmin.u32 v3, $0xFFFF  }
0x6a: {  	v31 =	vld [tilespmem:s24+$0xFFFFFF80];
	v8 =	vnsel vm8, $0x0, v8;
	v9 =	vnsel vm9, $0x0, v9;
	v4 =	vmin.u32 v4, $0xFFFF  }
0x6b: {  	v10 =	vnsel vm10, $0x0, v10;
	v11 =	vnsel vm11, $0x0, v11;
	v5 =	vmin.u32 v5, $0xFFFF;
	v0 =	vld.idx.msk [tilespmem:v0+s5+$0x0], $0xffff  }
0x6c: {  	v1 =	vnsel vm0, $0x0, v1;
	vm0 =	vgt.s32 v16, $0x0;
	v7 =	vmin.u32 v7, $0xFFFF;
	v15 =	vld.idx.msk [tilespmem:v15+s5+$0x0], $0xffff  }
0x6d: {  	v12 =	vnsel vm12, $0x0, v12;
	v1 =	vmin.u32 v1, $0xFFFF;
	v16 =	vnsel vm0, $0x0, v16;
	v2 =	vld.idx.msk [tilespmem:v2+s5+$0x0], $0xffff  }
0x6e: {  	s18 =	sand.u32 $0x1, s14;
	v14 =	vnsel vm14, $0x0, v14;
	v6 =	vmin.u32 v6, $0xFFFF;
	v16 =	vmin.u32 v16, $0xFFFF;
	v63 =	vld.idx.msk [tilespmem:v3+s5+$0x0], $0xffff  }
0x6f: {  	s23 =	sshll.u32 s18, $0xD;
	v8 =	vmin.u32 v8, $0xFFFF;
	v32 =	vmin.u32 v9, $0xFFFF;
	v9 =	vmul.f32 $6.553600000e+04, v30;
	v35 =	vld.idx.msk [tilespmem:v4+s5+$0x0], $0xffff  }
0x70: {  	s20 =	sor.u32 $0x14080, s23;
	v62 =	vmin.u32 v10, $0xFFFF;
	v10 =	vmul.f32 $6.553600000e+04, v31;
	v33 =	vmin.u32 v11, $0xFFFF;
	v5 =	vld.idx.msk [tilespmem:v5+s5+$0x0], $0xffff  }
0x71: {  	v36 =	vmin.u32 v12, $0xFFFF;
	v34 =	vtrunc.f32 v9;
	v9 =	vcvt.f32.s32 v19;
	v19 =	vld.idx.msk [tilespmem:v7+s5+$0x0], $0xffff;
	[tilespmem:s20+$0x70] =	vst v0  }
0x72: {  	v38 =	vmin.u32 v14, $0xFFFF;
	v14 =	vcvt.f32.s32 v21;
	v12 =	vcvt.f32.s32 v23;
	v1 =	vld.idx.msk [tilespmem:v1+s5+$0x0], $0xffff;
	[tilespmem:s20+$0xFFFFFF80] =	vst v15  }
0x73: {  	v13 =	vnsel vm13, $0x0, v13;
	v11 =	vcvt.f32.s32 v25;
	v3 =	vtrunc.f32 v10;
	v16 =	vld.idx.msk [tilespmem:v16+s5+$0x0], $0xffff;
	[tilespmem:s20+$0xFFFFFFA0] =	vst v2  }
0x74: {  	v37 =	vmin.u32 v13, $0xFFFF;
	v4 =	vcvt.f32.s32 v3;
	v3 =	vcvt.f32.s32 v18;
	v18 =	vld.idx.msk [tilespmem:v6+s5+$0x0], $0xffff;
	[tilespmem:s20+$0xFFFFFFB0] =	vst v63  }
0x75: {  	v13 =	vcvt.f32.s32 v27;
	vm6 =	vgt.s32 v14, $0x0;
	v6 =	vcvt.f32.s32 v20;
	v20 =	vld.idx.msk [tilespmem:v8+s5+$0x0], $0xffff;
	[tilespmem:s20+$0xFFFFFFC0] =	vst v35  }
0x76: {  	vm10 =	vgt.s32 v12, $0x0;
	vm9 =	vgt.s32 v11, $0x0;
	v7 =	vcvt.f32.s32 v22;
	v15 =	vld.idx.msk [tilespmem:v32+s5+$0x0], $0xffff;
	[tilespmem:s20+$0xFFFFFFD0] =	vst v5  }
0x77: {  	s19 =	sadd.s32 $0x100, s20;
	vm5 =	vgt.s32 v13, $0x0;
	v10 =	vcvt.f32.s32 v24;
	v0 =	vcvt.f32.s32 v17;
	v17 =	vld.idx.msk [tilespmem:v33+s5+$0x0], $0xffff;
	[tilespmem:s20+$0xFFFFFFF0] =	vst v19  }
0x78: {  	s25 =	simm.s32 $0x1;
	vm3 =	vgt.s32 v9, $0x0;
	v8 =	vcvt.f32.s32 v26;
	vm11 =	vgt.s32 v7, $0x0;
	[tilespmem:s19+$0x70] =	vst v16;
	v16 =	vld.idx.msk [tilespmem:v62+s5+$0x0], $0xffff  }
0x79: {  	s25 =	simm.s32 @!p1 $0x0;
	vm8 =	vgt.s32 v10, $0x0;
	vm1 =	vgt.s32 v4, $0x0;
	v2 =	vcvt.f32.s32 v28;
	v19 =	vld.idx.msk [tilespmem:v37+s5+$0x0], $0xffff;
	[tilespmem:s20+$0xFFFFFF90] =	vst v1  }
0x7a: {  	s21 =	sadd.s32 s6, s21;
	s16 =	sadd.s32 s25, s16;
	[smem:$0x0] =	sst @!p2 s22;
	vm2 =	vgt.s32 v3, $0x0;
	v5 =	vcvt.f32.s32 v29;
	v1 =	vcvt.f32.s32 v34;
	[tilespmem:s20+$0xFFFFFFE0] =	vst v18;
	v18 =	vld.idx.msk [tilespmem:v36+s5+$0x0], $0xffff  }
0x7b: {  	s24 =	sadd.s32 $0x100, s24;
	s22 =	sor.u32 $0x14000, s23;
	s23 =	simm.s32 $0x100;
	vm4 =	vgt.s32 v6, $0x0;
	vm7 =	vgt.s32 v8, $0x0;
	[tilespmem:s20+$0x0] =	vst v20;
	v20 =	vld.idx.msk [tilespmem:v38+s5+$0x0], $0xffff;
	vm0 =	vgt.s32 v0, $0x0  }
.LBB2_3:
0x7c: {  	v21 =	vld [tilespmem:s24+$0x70];
	s23 =	sadd.s32 $0x100, s23;
	vm13 =	vgt.s32 v2, $0x0;
	vm14 =	vgt.s32 v5, $0x0;
	vm12 =	vgt.s32 v1, $0x0;
	[tilespmem:s20+$0x10] =	vst v15  }
0x7d: {  	v4 =	vnsel vm1, $0x0, v4;
	v0 =	vnsel vm0, $0x0, v0;
	v3 =	vnsel vm2, $0x0, v3;
	v15 =	vld [tilespmem:s24+$0xFFFFFF90];
	p1 =	slt.u32 s23, $0x1F00;
	[tilespmem:s20+$0x20] =	vst v16  }
0x7e: {  	v9 =	vnsel vm3, $0x0, v9;
	v6 =	vnsel vm4, $0x0, v6;
	v14 =	vnsel vm6, $0x0, v14;
	v16 =	vld [tilespmem:s24+$0xFFFFFFA0];
	[tilespmem:s20+$0x30] =	vst v17  }
0x7f: {  	v7 =	vnsel vm11, $0x0, v7;
	v12 =	vnsel vm10, $0x0, v12;
	v10 =	vnsel vm8, $0x0, v10;
	v17 =	vld [tilespmem:s24+$0xFFFFFFB0];
	[tilespmem:s20+$0x40] =	vst v18  }
0x80: {  	v11 =	vnsel vm9, $0x0, v11;
	v8 =	vnsel vm7, $0x0, v8;
	v13 =	vnsel vm5, $0x0, v13;
	v18 =	vld [tilespmem:s24+$0xFFFFFFC0];
	[tilespmem:s20+$0x50] =	vst v19  }
0x81: {  	v2 =	vnsel vm13, $0x0, v2;
	v5 =	vnsel vm14, $0x0, v5;
	v19 =	vld [tilespmem:s24+$0xFFFFFFD0];
	v21 =	vmul.f32 $6.553600000e+04, v21;
	[tilespmem:s20+$0x60] =	vst v20;
	s20 =	smov.u32 s19  }
0x82: {  	v4 =	vmin.u32 v4, $0xFFFF;
	v1 =	vnsel vm12, $0x0, v1;
	v15 =	vmul.f32 $6.553600000e+04, v15;
	v20 =	vld [tilespmem:s24+$0xFFFFFFE0]  }
0x83: {  	v0 =	vmin.u32 v0, $0xFFFF;
	v16 =	vmul.f32 $6.553600000e+04, v16;
	v22 =	vld [tilespmem:s24+$0xFFFFFFF0];
	v21 =	vtrunc.f32 v21  }
0x84: {  	v3 =	vmin.u32 v3, $0xFFFF;
	v17 =	vmul.f32 $6.553600000e+04, v17;
	v23 =	vld [tilespmem:s24+$0x0];
	v21 =	vcvt.f32.s32 v21  }
0x85: {  	v9 =	vmin.u32 v9, $0xFFFF;
	v15 =	vtrunc.f32 v15;
	v18 =	vmul.f32 $6.553600000e+04, v18;
	v24 =	vld [tilespmem:s24+$0x10]  }
0x86: {  	v16 =	vtrunc.f32 v16;
	v19 =	vmul.f32 $6.553600000e+04, v19;
	v25 =	vld [tilespmem:s24+$0x20];
	vm0 =	vgt.s32 v21, $0x0  }
0x87: {  	v17 =	vtrunc.f32 v17;
	v20 =	vmul.f32 $6.553600000e+04, v20;
	v26 =	vld [tilespmem:s24+$0x30];
	v21 =	vnsel vm0, $0x0, v21  }
0x88: {  	v18 =	vtrunc.f32 v18;
	v22 =	vmul.f32 $6.553600000e+04, v22;
	v27 =	vld [tilespmem:s24+$0x40];
	v21 =	vmin.u32 v21, $0xFFFF  }
0x89: {  	v6 =	vmin.u32 v6, $0xFFFF;
	v19 =	vtrunc.f32 v19;
	v23 =	vmul.f32 $6.553600000e+04, v23;
	v28 =	vld [tilespmem:s24+$0x50]  }
0x8a: {  	v14 =	vmin.u32 v14, $0xFFFF;
	v20 =	vtrunc.f32 v20;
	v24 =	vmul.f32 $6.553600000e+04, v24;
	v29 =	vld [tilespmem:s24+$0x60]  }
0x8b: {  	v7 =	vmin.u32 v7, $0xFFFF;
	v22 =	vtrunc.f32 v22;
	v30 =	vld [tilespmem:s24+$0xFFFFFF80];
	v25 =	vmul.f32 $6.553600000e+04, v25  }
0x8c: {  	v12 =	vmin.u32 v12, $0xFFFF;
	v23 =	vtrunc.f32 v23;
	v26 =	vmul.f32 $6.553600000e+04, v26;
	v4 =	vld.idx.msk [tilespmem:v4+s5+$0x0], $0xffff  }
0x8d: {  	v10 =	vmin.u32 v10, $0xFFFF;
	v24 =	vtrunc.f32 v24;
	v27 =	vmul.f32 $6.553600000e+04, v27;
	v21 =	vld.idx.msk [tilespmem:v21+s5+$0x0], $0xffff  }
0x8e: {  	v11 =	vmin.u32 v11, $0xFFFF;
	v25 =	vtrunc.f32 v25;
	v28 =	vmul.f32 $6.553600000e+04, v28;
	v31 =	vld.idx.msk [tilespmem:v0+s5+$0x0], $0xffff  }
0x8f: {  	v32 =	vmin.u32 v8, $0xFFFF;
	v26 =	vtrunc.f32 v26;
	v0 =	vmul.f32 $6.553600000e+04, v29;
	v29 =	vld.idx.msk [tilespmem:v3+s5+$0x0], $0xffff  }
0x90: {  	v27 =	vtrunc.f32 v27;
	v3 =	vmul.f32 $6.553600000e+04, v30;
	v8 =	vld.idx.msk [tilespmem:v9+s5+$0x0], $0xffff;
	v30 =	vmin.u32 v13, $0xFFFF  }
0x91: {  	v34 =	vmin.u32 v2, $0xFFFF;
	v28 =	vtrunc.f32 v28;
	v33 =	vtrunc.f32 v0;
	v13 =	vld.idx.msk [tilespmem:v6+s5+$0x0], $0xffff  }
0x92: {  	v36 =	vmin.u32 v5, $0xFFFF;
	s19 =	sadd.s32 $0x100, s19;
	v0 =	vcvt.f32.s32 v15;
	v2 =	vtrunc.f32 v3;
	[tilespmem:s20+$0xFFFFFF80] =	vst v4;
	v35 =	vld.idx.msk [tilespmem:v14+s5+$0x0], $0xffff  }
0x93: {  	v37 =	vmin.u32 v1, $0xFFFF;
	v3 =	vcvt.f32.s32 v16;
	v4 =	vcvt.f32.s32 v2;
	[tilespmem:s19+$0x70] =	vst v21;
	v21 =	vld.idx.msk [tilespmem:v7+s5+$0x0], $0xffff  }
0x94: {  	v9 =	vcvt.f32.s32 v17;
	v6 =	vcvt.f32.s32 v18;
	vm0 =	vgt.s32 v0, $0x0;
	[tilespmem:s20+$0xFFFFFF90] =	vst v31;
	v31 =	vld.idx.msk [tilespmem:v12+s5+$0x0], $0xffff  }
0x95: {  	v14 =	vcvt.f32.s32 v19;
	v7 =	vcvt.f32.s32 v20;
	vm1 =	vgt.s32 v4, $0x0;
	[tilespmem:s20+$0xFFFFFFA0] =	vst v29;
	v20 =	vld.idx.msk [tilespmem:v10+s5+$0x0], $0xffff  }
0x96: {  	vm2 =	vgt.s32 v3, $0x0;
	v12 =	vcvt.f32.s32 v22;
	v10 =	vcvt.f32.s32 v23;
	[tilespmem:s20+$0xFFFFFFB0] =	vst v8;
	v15 =	vld.idx.msk [tilespmem:v11+s5+$0x0], $0xffff  }
.Ltmp0:
0x97: {  	vm3 =	vgt.s32 v9, $0x0;
	v11 =	vcvt.f32.s32 v24;
	v8 =	vcvt.f32.s32 v25;
	[tilespmem:s20+$0xFFFFFFC0] =	vst v13;
	v16 =	vld.idx.msk [tilespmem:v32+s5+$0x0], $0xffff;
	(pc) =	sbr.rel @p1 .LBB2_3-.Ltmp0, $4  }
0x98: {  	vm4 =	vgt.s32 v6, $0x0;
	v2 =	vcvt.f32.s32 v27;
	v13 =	vcvt.f32.s32 v26;
	[tilespmem:s20+$0xFFFFFFD0] =	vst v35;
	v17 =	vld.idx.msk [tilespmem:v30+s5+$0x0], $0xffff  }
0x99: {  	v5 =	vcvt.f32.s32 v28;
	v1 =	vcvt.f32.s32 v33;
	vm6 =	vgt.s32 v14, $0x0;
	[tilespmem:s20+$0xFFFFFFE0] =	vst v21;
	v18 =	vld.idx.msk [tilespmem:v34+s5+$0x0], $0xffff  }
0x9a: {  	vm11 =	vgt.s32 v7, $0x0;
	vm10 =	vgt.s32 v12, $0x0;
	vm8 =	vgt.s32 v10, $0x0;
	[tilespmem:s20+$0xFFFFFFF0] =	vst v31;
	v19 =	vld.idx.msk [tilespmem:v36+s5+$0x0], $0xffff  }
0x9b: {  	s24 =	sadd.s32 $0x100, s24;
	vm9 =	vgt.s32 v11, $0x0;
	vm7 =	vgt.s32 v8, $0x0;
	vm5 =	vgt.s32 v13, $0x0;
	[tilespmem:s20+$0x0] =	vst v20;
	v20 =	vld.idx.msk [tilespmem:v37+s5+$0x0], $0xffff  }
0x9c: {  	v4 =	vnsel vm1, $0x0, v4  }
0x9d: {  	v0 =	vnsel vm0, $0x0, v0;
	v4 =	vmin.u32 v4, $0xFFFF  }
0x9e: {  	v3 =	vnsel vm2, $0x0, v3;
	v0 =	vmin.u32 v0, $0xFFFF  }
0x9f: {  	v9 =	vnsel vm3, $0x0, v9;
	v3 =	vmin.u32 v3, $0xFFFF  }
0xa0: {  	v6 =	vnsel vm4, $0x0, v6;
	v9 =	vmin.u32 v9, $0xFFFF  }
0xa1: {  	[tilespmem:s20+$0x10] =	vst v15;
	v14 =	vnsel vm6, $0x0, v14;
	v6 =	vmin.u32 v6, $0xFFFF  }
0xa2: {  	[tilespmem:s20+$0x20] =	vst v16;
	v7 =	vnsel vm11, $0x0, v7;
	v14 =	vmin.u32 v14, $0xFFFF;
	v4 =	vld.idx.msk [tilespmem:v4+s5+$0x0], $0xffff  }
0xa3: {  	v12 =	vnsel vm10, $0x0, v12;
	[tilespmem:s20+$0x30] =	vst v17;
	v7 =	vmin.u32 v7, $0xFFFF;
	v0 =	vld.idx.msk [tilespmem:v0+s5+$0x0], $0xffff  }
0xa4: {  	v10 =	vnsel vm8, $0x0, v10;
	v12 =	vmin.u32 v12, $0xFFFF;
	[tilespmem:s20+$0x40] =	vst v18;
	v3 =	vld.idx.msk [tilespmem:v3+s5+$0x0], $0xffff  }
0xa5: {  	v11 =	vnsel vm9, $0x0, v11;
	v10 =	vmin.u32 v10, $0xFFFF;
	[tilespmem:s20+$0x50] =	vst v19;
	v9 =	vld.idx.msk [tilespmem:v9+s5+$0x0], $0xffff  }
0xa6: {  	v8 =	vnsel vm7, $0x0, v8;
	v11 =	vmin.u32 v11, $0xFFFF;
	[tilespmem:s20+$0x60] =	vst v20;
	v6 =	vld.idx.msk [tilespmem:v6+s5+$0x0], $0xffff  }
0xa7: {  	vm13 =	vgt.s32 v2, $0x0;
	v13 =	vnsel vm5, $0x0, v13;
	v8 =	vmin.u32 v8, $0xFFFF;
	v57 =	vld.idx.msk [tilespmem:v14+s5+$0x0], $0xffff;
	[tilespmem:s19+$0xFFFFFF80] =	vst v4  }
0xa8: {  	vm15 =	vgt.s32 v1, $0x0;
	v2 =	vnsel vm13, $0x0, v2;
	v13 =	vmin.u32 v13, $0xFFFF;
	v7 =	vld.idx.msk [tilespmem:v7+s5+$0x0], $0xffff;
	[tilespmem:s19+$0xFFFFFF90] =	vst v0  }
0xa9: {  	vm14 =	vgt.s32 v5, $0x0;
	v1 =	vnsel vm15, $0x0, v1;
	v2 =	vmin.u32 v2, $0xFFFF;
	v59 =	vld.idx.msk [tilespmem:v12+s5+$0x0], $0xffff;
	[tilespmem:s19+$0xFFFFFFA0] =	vst v3  }
0xaa: {  	v58 =	vnsel vm14, $0x0, v5;
	v1 =	vmin.u32 v1, $0xFFFF;
	v60 =	vld.idx.msk [tilespmem:v10+s5+$0x0], $0xffff;
	[tilespmem:s19+$0xFFFFFFB0] =	vst v9  }
0xab: {  	v61 =	vld.idx.msk [tilespmem:v11+s5+$0x0], $0xffff;
	v0 =	vmin.u32 v58, $0xFFFF;
	[tilespmem:s19+$0xFFFFFFC0] =	vst v6  }
0xac: {  	v62 =	vld.idx.msk [tilespmem:v8+s5+$0x0], $0xffff;
	[tilespmem:s19+$0xFFFFFFD0] =	vst v57  }
0xad: {  	v63 =	vld.idx.msk [tilespmem:v13+s5+$0x0], $0xffff;
	[tilespmem:s19+$0xFFFFFFE0] =	vst v7  }
0xae: {  	v2 =	vld.idx.msk [tilespmem:v2+s5+$0x0], $0xffff;
	[tilespmem:s19+$0xFFFFFFF0] =	vst v59  }
0xaf: {  	v1 =	vld.idx.msk [tilespmem:v1+s5+$0x0], $0xffff;
	[tilespmem:s19+$0x0] =	vst v60  }
0xb0: {  	[tilespmem:s19+$0x10] =	vst v61;
	v0 =	vld.idx.msk [tilespmem:v0+s5+$0x0], $0xffff  }
0xb1: {  	[tilespmem:s19+$0x20] =	vst v62  }
0xb2: {  	[tilespmem:s19+$0x30] =	vst v63  }
0xb3: {  	p1 =	seq.s32 s17, $0x3F;
	[tilespmem:s19+$0x40] =	vst v2  }
0xb4: {  	p1 =	por p1, p0;
	[tilespmem:s19+$0x60] =	vst v1  }
0xb5: {  	p0 =	seq.s32 s17, $0x0;
	[tilespmem:s19+$0x50] =	vst v0;
	s19 =	sshll.u32 @p1 s21, $0xA  }
0xb6: {  	s18 =	sor.u32 @p1 $0x4, s18;
	_ =	strace $0x9000004B;
	s19 =	sand.u32 @p1 $0x1FFFFC00, s19  }
0xb7: {  	s20 =	simm.s32 @p1 $0x0;
	_ =	strace @p1 $0x8000004C;
	s19 =	sadd.s32 @p1 s3, s19  }
0xb8: {  	[hbm4b:s19+s20] =	stream.linear.scatter @p1 [tilespmem:s22], [sflag:s18], $0x2000, $0x200038;
	[tilespmem:$0x18000] =	vst v63  }
0xb9: {  	s18 =	simm.s32 $0x1;
	s20 =	simm.s32 $0x1;
	_ =	strace @p1 $0x9000004C  }
0xba: {  	s18 =	simm.s32 @!p1 $0x0;
	p1 =	sne.s32 s17, $0x0;
	s17 =	sadd.s32 $0x1, s17  }
0xbb: {  	s19 =	sand.u32 @!p0 $0x1, s13;
	s20 =	simm.s32 @!p1 $0x0;
	p1 =	sne.s32 s17, $0x40  }
.Ltmp1:
0xbc: {  	s19 =	sor.u32 @!p0 $0x4, s19;
	_ =	strace @!p0 $0x8000004D;
	(pc) =	sbr.rel @p1 .LBB2_2-.Ltmp1, $4  }
0xbd: {  	_ =	swait.ge @!p0 [sflag:s19], $0x2000  }
0xbe: {  	[sflag:s19] =	ssyncset.done @!p0 $0x0  }
0xbf: {  	s14 =	sadd.s32 s18, s14;
	[sflag:s19] =	ssyncadd.s32 @!p0 $0xFFFFE000  }
0xc0: {  	s15 =	sadd.s32 s18, s15;
	s13 =	sadd.s32 s20, s13;
	_ =	strace @!p0 $0x9000004D  }
0xc1: {  	s11 =	sadd.s32 $0x1, s11  }
0xc2: {  	p0 =	sne.s32 s11, s8  }
.Ltmp2:
0xc3: {  	_ =	strace $0x8000004E;
	(pc) =	sbr.rel @p0 .LBB2_1-.Ltmp2, $4  }
0xc4: {  	_ =	swait.ge [sflag:s10], $0x2000  }
0xc5: {  	[sflag:s10] =	ssyncset.done $0x0  }
0xc6: {  	[sflag:s10] =	ssyncadd.s32 $0xFFFFE000  }
0xc7: {  	_ =	strace $0x9000004E  }
0xc8: {  	_ =	sfence.sel $0x180000  }
0xc9: {  	[bflag:$0x0] =	sbarrier.arrive $0xFFFF  }
0xca: {  	p0 =	sne.s32 s4, $0x0;
	_ =	strace $0x90000047  }
0xcb: {  	s0 =	sadd.s32 @!p0 $0x100000, s0;
	[bflag:$0x2] =	sbarrier.arrive $0xFFFF  }
0xcc: {  	[sflag:s0] =	ssyncadd.tile.s32 @!p0 $0x1;
	_ =	shalt  }
.Lfunc_end2:
_tile_overlayer_lowered:
.L_overlay_start_2:
0xcd: {  	(tag) =	ssettag $0x2  }
0xce: {  	s0 =	rddreg [dreg:$0x0];
	s2 =	stileid.u32  }
0xcf: {  	s1 =	rddreg [dreg:$0x1];
	p0 =	sne.s32 s2, $0x0  }
0xd0: {  	s3 =	rddreg [dreg:$0x2];
	[bflag:$0x3] =	sbarrier.arrive $0xFFFF;
	s2 =	simm.s32 @!p0 $0x1C02  }
0xd1: {  	[timem:s3], [sflag:s2] =	dma.local @!p0 [hbm:s0], s1  }
0xd2: {  	s0 =	simm.s32 @!p0 $0x2  }
0xd3: {  	_ =	swait.ge @!p0 [sflag:s0], s1  }
0xd4: {  	s1 =	ssub.s32 @!p0 $0x0, s1;
	[sflag:s0] =	ssyncset.done @!p0 $0x0  }
0xd5: {  	[sflag:s0] =	ssyncadd.s32 @!p0 s1  }
0xd6: {  	[bflag:$0x3] =	sbarrier.arrive $0xFFFF  }
0xd7: {  	_ =	shalt  }

</sc_bundles>
